<compile_context>
chip_gen: v7x
topology: tpu7x:2x2x1
jax: 0.10.2.dev20260603
libtpu: 0.0.44.dev20260713+nightly
codegen_flags: <defaults>
</compile_context>

<pallas_src>
import functools

import jax
import jax.numpy as jnp
from jax import lax
from jax.experimental import pallas as pl
from jax.experimental.pallas import tpu as pltpu
from jax.experimental.pallas import tpu_sc as plsc

_L = 16
_UNROLL = 8


@functools.cache
def _make_gather(V, D, B):
    info = plsc.get_sparse_core_info()
    NC, NS = info.num_cores, info.num_subcores
    NW = NC * NS
    assert D == NW, "one tile per embedding dim"
    chunk = 8192
    n_chunks = B // chunk
    step = _L * _UNROLL
    mesh = plsc.VectorSubcoreMesh(core_axis_name="c", subcore_axis_name="s")

    @functools.partial(
        pl.kernel,
        mesh=mesh,
        out_type=jax.ShapeDtypeStruct((D, B), jnp.float32),
        scratch_types=[
            pltpu.VMEM((V,), jnp.float32),
            pltpu.VMEM((chunk,), jnp.int32),
            pltpu.VMEM((chunk,), jnp.float32),
            pltpu.SemaphoreType.DMA,
            pltpu.SemaphoreType.DMA,
        ],
        compiler_params=pltpu.CompilerParams(
            use_tc_tiling_on_sc=True, needs_layout_passes=False
        ),
    )
    def k(wt_hbm, idx_hbm, out_hbm, row_v, idx_v, col_v, rsem, wsem):
        d = lax.axis_index("s") * NC + lax.axis_index("c")
        row_cp = pltpu.async_copy(wt_hbm.at[d], row_v, rsem)
        pltpu.sync_copy(idx_hbm.at[pl.ds(0, chunk)], idx_v)
        row_cp.wait()

        def gather_blk(i, _):
            off = i * step
            for u in range(_UNROLL):
                idx16 = idx_v[pl.ds(off + u * _L, _L)]
                col_v[pl.ds(off + u * _L, _L)] = plsc.load_gather(row_v, [idx16])
            return 0

        for c in range(n_chunks):
            lax.fori_loop(0, chunk // step, gather_blk, 0)
            wb = pltpu.async_copy(
                col_v, out_hbm.at[d, pl.ds(c * chunk, chunk)], wsem
            )
            if c + 1 < n_chunks:
                pltpu.sync_copy(
                    idx_hbm.at[pl.ds((c + 1) * chunk, chunk)], idx_v
                )
            wb.wait()

    return k


def kernel(domain_id, weight):
    (B,) = domain_id.shape
    V, D = weight.shape
    out_t = _make_gather(V, D, B)(weight.T, domain_id.astype(jnp.int32))
    return out_t.T

# --- scband reference (transcript-rebuilt; emitter-appended) ---
"""Pipeline reference for scband-domain-embedding-74277164417707 (READ-ONLY COPY).

The authoritative reference and input builder live on the scoring server;
editing this copy changes nothing except your own understanding.
"""

import jax, jax.numpy as jnp
import numpy as np

NUM_DOMAINS = 100000
EMB_DIM = 32
BATCH = 16384

def _xavier_uniform(key, shape, dtype=jnp.float32):
    fan_in, fan_out = shape[1], shape[0]
    # torch xavier_uniform on an Embedding weight of shape (num_embeddings, emb_dim)
    # treats fan_in=emb_dim? torch uses fan_in = shape[1], fan_out = shape[0]
    a = np.sqrt(6.0 / (shape[0] + shape[1]))
    return jax.random.uniform(key, shape, dtype, minval=-a, maxval=a)

def setup_inputs(seed: int = 0) -> dict:
    key = jax.random.key(seed)
    k_idx, k_w = jax.random.split(key)
    domain_id = jax.random.randint(k_idx, (BATCH,), 0, NUM_DOMAINS, dtype=jnp.int64)
    weight = _xavier_uniform(k_w, (NUM_DOMAINS, EMB_DIM))
    return {"domain_id": domain_id, "weight": weight}

def reference(domain_id, weight):
    # Faithful translation of nn.Embedding lookup: weight[domain_id]
    domain_emb = jnp.take(weight, domain_id, axis=0)
    return domain_emb

if __name__ == "__main__":
    import jax
    _d = setup_inputs()
    print(jax.jit(kernel)(*tuple(_d.values())))

</pallas_src>

<mosaic_0001>
#map = affine_map<(d0, d1) -> (0, 0)>
#map1 = affine_map<(d0, d1) -> (0)>
module attributes {stable_mosaic.version = 14 : i64} {
  func.func @k(%arg0: i32, %arg1: i32, %arg2: memref<32x100000xf32, #tpu.memory_space<hbm>>, %arg3: memref<16384xi32, #tpu.memory_space<hbm>>, %arg4: memref<32x16384xf32, #tpu.memory_space<hbm>>, %arg5: memref<100000xf32, #tpu.memory_space<vmem>>, %arg6: memref<8192xi32, #tpu.memory_space<vmem>>, %arg7: memref<8192xf32, #tpu.memory_space<vmem>>, %arg8: memref<!tpu.dma_semaphore, #tpu.memory_space<semaphore_mem>>, %arg9: memref<!tpu.dma_semaphore, #tpu.memory_space<semaphore_mem>>) attributes {dimension_semantics = [#tpu.dimension_semantics<core_parallel>, #tpu.dimension_semantics<subcore_parallel>], iteration_bounds = array<i64: 2, 16>, scalar_prefetch = 0 : i64, scratch_operands = 5 : i64, tpu.core_type = #tpu.core_type<sc_vector_subcore>, window_params = [{transform_indices = #map}, {transform_indices = #map1}, {transform_indices = #map}]} {
    %mul3A = arith.constant 2 : i32
    %mul3A_0 = arith.muli %arg1, %mul3A : i32
    %add3A = arith.addi %mul3A_0, %arg0 : i32
    %dma_start3A = arith.constant 0 : i32
    %dma_start3A_1 = tpu.memref_slice %arg2[%add3A, %dma_start3A] : memref<32x100000xf32, #tpu.memory_space<hbm>> -> memref<1x100000xf32, #tpu.memory_space<hbm>>
    %dma_start3A_2 = tpu.memref_squeeze %dma_start3A_1 : memref<1x100000xf32, #tpu.memory_space<hbm>> -> memref<100000xf32, #tpu.memory_space<hbm>>
    %dma_start3A_3 = arith.constant 0 : i32
    %dma_start3A_4 = tpu.memref_slice %arg2[%add3A, %dma_start3A_3] : memref<32x100000xf32, #tpu.memory_space<hbm>> -> memref<1x100000xf32, #tpu.memory_space<hbm>>
    %dma_start3A_5 = tpu.memref_squeeze %dma_start3A_4 : memref<1x100000xf32, #tpu.memory_space<hbm>> -> memref<100000xf32, #tpu.memory_space<hbm>>
    tpu.enqueue_dma source(%dma_start3A_5 : memref<100000xf32, #tpu.memory_space<hbm>>) target(%arg5 : memref<100000xf32, #tpu.memory_space<vmem>>) target_semaphore(%arg8 : memref<!tpu.dma_semaphore, #tpu.memory_space<semaphore_mem>>)
    "tpu.region"() ({
      %run_scoped3A = tpu.sem_alloc : memref<!tpu.dma_semaphore, #tpu.memory_space<semaphore_mem>>
      %dma_start3A_48 = arith.constant 0 : i32
      %dma_start3A_49 = tpu.memref_slice %arg3[%dma_start3A_48] : memref<16384xi32, #tpu.memory_space<hbm>> -> memref<8192xi32, #tpu.memory_space<hbm>>
      %dma_start3A_50 = arith.constant 0 : i32
      %dma_start3A_51 = tpu.memref_slice %arg3[%dma_start3A_50] : memref<16384xi32, #tpu.memory_space<hbm>> -> memref<8192xi32, #tpu.memory_space<hbm>>
      tpu.enqueue_dma source(%dma_start3A_51 : memref<8192xi32, #tpu.memory_space<hbm>>) target(%arg6 : memref<8192xi32, #tpu.memory_space<vmem>>) target_semaphore(%run_scoped3A : memref<!tpu.dma_semaphore, #tpu.memory_space<semaphore_mem>>)
      %dma_wait3A_52 = arith.constant 0 : i32
      %dma_wait3A_53 = tpu.memref_slice %arg3[%dma_wait3A_52] : memref<16384xi32, #tpu.memory_space<hbm>> -> memref<8192xi32, #tpu.memory_space<hbm>>
      %dma_wait3A_54 = arith.constant 0 : i32
      %dma_wait3A_55 = tpu.memref_slice %arg3[%dma_wait3A_54] : memref<16384xi32, #tpu.memory_space<hbm>> -> memref<8192xi32, #tpu.memory_space<hbm>>
      tpu.wait_dma2 semaphore(%run_scoped3A : memref<!tpu.dma_semaphore, #tpu.memory_space<semaphore_mem>>) src(%dma_wait3A_55 : memref<8192xi32, #tpu.memory_space<hbm>>) dst(%arg6 : memref<8192xi32, #tpu.memory_space<vmem>>)
      tpu.yield
    }) : () -> ()
    %dma_wait3A = arith.constant 0 : i32
    %dma_wait3A_6 = tpu.memref_slice %arg2[%add3A, %dma_wait3A] : memref<32x100000xf32, #tpu.memory_space<hbm>> -> memref<1x100000xf32, #tpu.memory_space<hbm>>
    %dma_wait3A_7 = tpu.memref_squeeze %dma_wait3A_6 : memref<1x100000xf32, #tpu.memory_space<hbm>> -> memref<100000xf32, #tpu.memory_space<hbm>>
    %dma_wait3A_8 = arith.constant 0 : i32
    %dma_wait3A_9 = tpu.memref_slice %arg2[%add3A, %dma_wait3A_8] : memref<32x100000xf32, #tpu.memory_space<hbm>> -> memref<1x100000xf32, #tpu.memory_space<hbm>>
    %dma_wait3A_10 = tpu.memref_squeeze %dma_wait3A_9 : memref<1x100000xf32, #tpu.memory_space<hbm>> -> memref<100000xf32, #tpu.memory_space<hbm>>
    tpu.wait_dma2 semaphore(%arg8 : memref<!tpu.dma_semaphore, #tpu.memory_space<semaphore_mem>>) src(%dma_wait3A_10 : memref<100000xf32, #tpu.memory_space<hbm>>) dst(%arg5 : memref<100000xf32, #tpu.memory_space<vmem>>)
    %scan3A = arith.constant 0 : i32
    %scan3A_11 = arith.constant 0 : i32
    %scan3A_12 = arith.constant 64 : i32
    %scan3A_13 = arith.addi %scan3A_11, %scan3A_12 : i32
    %scan3A_14 = arith.constant 1 : i32
    %scan3A_15 = scf.for %scan3A_48 = %scan3A_11 to %scan3A_13 step %scan3A_14 iter_args(%scan3A_49 = %scan3A) -> (i32)  : i32 {
      %mul3A_50 = arith.constant 128 : i32
      %mul3A_51 = arith.muli %scan3A_48, %mul3A_50 : i32
      %add3A_52 = arith.constant 0 : i32
      %add3A_53 = arith.addi %mul3A_51, %add3A_52 : i32
      %get3A = arith.index_cast %add3A_53 : i32 to index
      %get3A_54 = tpu.vector_load %arg6[%get3A] {strides = array<i32>} : memref<8192xi32, #tpu.memory_space<vmem>>, vector<16xi32>,
      %gather3A = tpu.vector_load_idx %arg5[%get3A_54] : memref<100000xf32, #tpu.memory_space<vmem>>[vector<16xi32>], vector<16xf32>,
      %add3A_55 = arith.constant 0 : i32
      %add3A_56 = arith.addi %mul3A_51, %add3A_55 : i32
      %swap3A = arith.index_cast %add3A_56 : i32 to index
      %swap3A_57 = tpu.vector_load %arg7[%swap3A] {strides = array<i32>} : memref<8192xf32, #tpu.memory_space<vmem>>, vector<16xf32>,
      tpu.vector_store %arg7[%swap3A], %gather3A {strides = array<i32>} : memref<8192xf32, #tpu.memory_space<vmem>>, vector<16xf32>,
      %add3A_58 = arith.constant 16 : i32
      %add3A_59 = arith.addi %mul3A_51, %add3A_58 : i32
      %get3A_60 = arith.index_cast %add3A_59 : i32 to index
      %get3A_61 = tpu.vector_load %arg6[%get3A_60] {strides = array<i32>} : memref<8192xi32, #tpu.memory_space<vmem>>, vector<16xi32>,
      %gather3A_62 = tpu.vector_load_idx %arg5[%get3A_61] : memref<100000xf32, #tpu.memory_space<vmem>>[vector<16xi32>], vector<16xf32>,
      %add3A_63 = arith.constant 16 : i32
      %add3A_64 = arith.addi %mul3A_51, %add3A_63 : i32
      %swap3A_65 = arith.index_cast %add3A_64 : i32 to index
      %swap3A_66 = tpu.vector_load %arg7[%swap3A_65] {strides = array<i32>} : memref<8192xf32, #tpu.memory_space<vmem>>, vector<16xf32>,
      tpu.vector_store %arg7[%swap3A_65], %gather3A_62 {strides = array<i32>} : memref<8192xf32, #tpu.memory_space<vmem>>, vector<16xf32>,
      %add3A_67 = arith.constant 32 : i32
      %add3A_68 = arith.addi %mul3A_51, %add3A_67 : i32
      %get3A_69 = arith.index_cast %add3A_68 : i32 to index
      %get3A_70 = tpu.vector_load %arg6[%get3A_69] {strides = array<i32>} : memref<8192xi32, #tpu.memory_space<vmem>>, vector<16xi32>,
      %gather3A_71 = tpu.vector_load_idx %arg5[%get3A_70] : memref<100000xf32, #tpu.memory_space<vmem>>[vector<16xi32>], vector<16xf32>,
      %add3A_72 = arith.constant 32 : i32
      %add3A_73 = arith.addi %mul3A_51, %add3A_72 : i32
      %swap3A_74 = arith.index_cast %add3A_73 : i32 to index
      %swap3A_75 = tpu.vector_load %arg7[%swap3A_74] {strides = array<i32>} : memref<8192xf32, #tpu.memory_space<vmem>>, vector<16xf32>,
      tpu.vector_store %arg7[%swap3A_74], %gather3A_71 {strides = array<i32>} : memref<8192xf32, #tpu.memory_space<vmem>>, vector<16xf32>,
      %add3A_76 = arith.constant 48 : i32
      %add3A_77 = arith.addi %mul3A_51, %add3A_76 : i32
      %get3A_78 = arith.index_cast %add3A_77 : i32 to index
      %get3A_79 = tpu.vector_load %arg6[%get3A_78] {strides = array<i32>} : memref<8192xi32, #tpu.memory_space<vmem>>, vector<16xi32>,
      %gather3A_80 = tpu.vector_load_idx %arg5[%get3A_79] : memref<100000xf32, #tpu.memory_space<vmem>>[vector<16xi32>], vector<16xf32>,
      %add3A_81 = arith.constant 48 : i32
      %add3A_82 = arith.addi %mul3A_51, %add3A_81 : i32
      %swap3A_83 = arith.index_cast %add3A_82 : i32 to index
      %swap3A_84 = tpu.vector_load %arg7[%swap3A_83] {strides = array<i32>} : memref<8192xf32, #tpu.memory_space<vmem>>, vector<16xf32>,
      tpu.vector_store %arg7[%swap3A_83], %gather3A_80 {strides = array<i32>} : memref<8192xf32, #tpu.memory_space<vmem>>, vector<16xf32>,
      %add3A_85 = arith.constant 64 : i32
      %add3A_86 = arith.addi %mul3A_51, %add3A_85 : i32
      %get3A_87 = arith.index_cast %add3A_86 : i32 to index
      %get3A_88 = tpu.vector_load %arg6[%get3A_87] {strides = array<i32>} : memref<8192xi32, #tpu.memory_space<vmem>>, vector<16xi32>,
      %gather3A_89 = tpu.vector_load_idx %arg5[%get3A_88] : memref<100000xf32, #tpu.memory_space<vmem>>[vector<16xi32>], vector<16xf32>,
      %add3A_90 = arith.constant 64 : i32
      %add3A_91 = arith.addi %mul3A_51, %add3A_90 : i32
      %swap3A_92 = arith.index_cast %add3A_91 : i32 to index
      %swap3A_93 = tpu.vector_load %arg7[%swap3A_92] {strides = array<i32>} : memref<8192xf32, #tpu.memory_space<vmem>>, vector<16xf32>,
      tpu.vector_store %arg7[%swap3A_92], %gather3A_89 {strides = array<i32>} : memref<8192xf32, #tpu.memory_space<vmem>>, vector<16xf32>,
      %add3A_94 = arith.constant 80 : i32
      %add3A_95 = arith.addi %mul3A_51, %add3A_94 : i32
      %get3A_96 = arith.index_cast %add3A_95 : i32 to index
      %get3A_97 = tpu.vector_load %arg6[%get3A_96] {strides = array<i32>} : memref<8192xi32, #tpu.memory_space<vmem>>, vector<16xi32>,
      %gather3A_98 = tpu.vector_load_idx %arg5[%get3A_97] : memref<100000xf32, #tpu.memory_space<vmem>>[vector<16xi32>], vector<16xf32>,
      %add3A_99 = arith.constant 80 : i32
      %add3A_100 = arith.addi %mul3A_51, %add3A_99 : i32
      %swap3A_101 = arith.index_cast %add3A_100 : i32 to index
      %swap3A_102 = tpu.vector_load %arg7[%swap3A_101] {strides = array<i32>} : memref<8192xf32, #tpu.memory_space<vmem>>, vector<16xf32>,
      tpu.vector_store %arg7[%swap3A_101], %gather3A_98 {strides = array<i32>} : memref<8192xf32, #tpu.memory_space<vmem>>, vector<16xf32>,
      %add3A_103 = arith.constant 96 : i32
      %add3A_104 = arith.addi %mul3A_51, %add3A_103 : i32
      %get3A_105 = arith.index_cast %add3A_104 : i32 to index
      %get3A_106 = tpu.vector_load %arg6[%get3A_105] {strides = array<i32>} : memref<8192xi32, #tpu.memory_space<vmem>>, vector<16xi32>,
      %gather3A_107 = tpu.vector_load_idx %arg5[%get3A_106] : memref<100000xf32, #tpu.memory_space<vmem>>[vector<16xi32>], vector<16xf32>,
      %add3A_108 = arith.constant 96 : i32
      %add3A_109 = arith.addi %mul3A_51, %add3A_108 : i32
      %swap3A_110 = arith.index_cast %add3A_109 : i32 to index
      %swap3A_111 = tpu.vector_load %arg7[%swap3A_110] {strides = array<i32>} : memref<8192xf32, #tpu.memory_space<vmem>>, vector<16xf32>,
      tpu.vector_store %arg7[%swap3A_110], %gather3A_107 {strides = array<i32>} : memref<8192xf32, #tpu.memory_space<vmem>>, vector<16xf32>,
      %add3A_112 = arith.constant 112 : i32
      %add3A_113 = arith.addi %mul3A_51, %add3A_112 : i32
      %get3A_114 = arith.index_cast %add3A_113 : i32 to index
      %get3A_115 = tpu.vector_load %arg6[%get3A_114] {strides = array<i32>} : memref<8192xi32, #tpu.memory_space<vmem>>, vector<16xi32>,
      %gather3A_116 = tpu.vector_load_idx %arg5[%get3A_115] : memref<100000xf32, #tpu.memory_space<vmem>>[vector<16xi32>], vector<16xf32>,
      %add3A_117 = arith.constant 112 : i32
      %add3A_118 = arith.addi %mul3A_51, %add3A_117 : i32
      %swap3A_119 = arith.index_cast %add3A_118 : i32 to index
      %swap3A_120 = tpu.vector_load %arg7[%swap3A_119] {strides = array<i32>} : memref<8192xf32, #tpu.memory_space<vmem>>, vector<16xf32>,
      tpu.vector_store %arg7[%swap3A_119], %gather3A_116 {strides = array<i32>} : memref<8192xf32, #tpu.memory_space<vmem>>, vector<16xf32>,
      %scan3A_121 = arith.constant 0 : i32
      scf.yield %scan3A_121 : i32
    }
    %scan3A_16 = arith.constant 64 : i32
    %dma_start3A_17 = arith.constant 0 : i32
    %dma_start3A_18 = tpu.memref_slice %arg4[%add3A, %dma_start3A_17] : memref<32x16384xf32, #tpu.memory_space<hbm>> -> memref<1x8192xf32, #tpu.memory_space<hbm>>
    %dma_start3A_19 = tpu.memref_squeeze %dma_start3A_18 : memref<1x8192xf32, #tpu.memory_space<hbm>> -> memref<8192xf32, #tpu.memory_space<hbm>>
    %dma_start3A_20 = arith.constant 0 : i32
    %dma_start3A_21 = tpu.memref_slice %arg4[%add3A, %dma_start3A_20] : memref<32x16384xf32, #tpu.memory_space<hbm>> -> memref<1x8192xf32, #tpu.memory_space<hbm>>
    %dma_start3A_22 = tpu.memref_squeeze %dma_start3A_21 : memref<1x8192xf32, #tpu.memory_space<hbm>> -> memref<8192xf32, #tpu.memory_space<hbm>>
    tpu.enqueue_dma source(%arg7 : memref<8192xf32, #tpu.memory_space<vmem>>) target(%dma_start3A_22 : memref<8192xf32, #tpu.memory_space<hbm>>) target_semaphore(%arg9 : memref<!tpu.dma_semaphore, #tpu.memory_space<semaphore_mem>>)
    "tpu.region"() ({
      %run_scoped3A = tpu.sem_alloc : memref<!tpu.dma_semaphore, #tpu.memory_space<semaphore_mem>>
      %dma_start3A_48 = arith.constant 8192 : i32
      %dma_start3A_49 = tpu.memref_slice %arg3[%dma_start3A_48] : memref<16384xi32, #tpu.memory_space<hbm>> -> memref<8192xi32, #tpu.memory_space<hbm>>
      %dma_start3A_50 = arith.constant 8192 : i32
      %dma_start3A_51 = tpu.memref_slice %arg3[%dma_start3A_50] : memref<16384xi32, #tpu.memory_space<hbm>> -> memref<8192xi32, #tpu.memory_space<hbm>>
      tpu.enqueue_dma source(%dma_start3A_51 : memref<8192xi32, #tpu.memory_space<hbm>>) target(%arg6 : memref<8192xi32, #tpu.memory_space<vmem>>) target_semaphore(%run_scoped3A : memref<!tpu.dma_semaphore, #tpu.memory_space<semaphore_mem>>)
      %dma_wait3A_52 = arith.constant 8192 : i32
      %dma_wait3A_53 = tpu.memref_slice %arg3[%dma_wait3A_52] : memref<16384xi32, #tpu.memory_space<hbm>> -> memref<8192xi32, #tpu.memory_space<hbm>>
      %dma_wait3A_54 = arith.constant 8192 : i32
      %dma_wait3A_55 = tpu.memref_slice %arg3[%dma_wait3A_54] : memref<16384xi32, #tpu.memory_space<hbm>> -> memref<8192xi32, #tpu.memory_space<hbm>>
      tpu.wait_dma2 semaphore(%run_scoped3A : memref<!tpu.dma_semaphore, #tpu.memory_space<semaphore_mem>>) src(%dma_wait3A_55 : memref<8192xi32, #tpu.memory_space<hbm>>) dst(%arg6 : memref<8192xi32, #tpu.memory_space<vmem>>)
      tpu.yield
    }) : () -> ()
    %dma_wait3A_23 = arith.constant 0 : i32
    %dma_wait3A_24 = tpu.memref_slice %arg4[%add3A, %dma_wait3A_23] : memref<32x16384xf32, #tpu.memory_space<hbm>> -> memref<1x8192xf32, #tpu.memory_space<hbm>>
    %dma_wait3A_25 = tpu.memref_squeeze %dma_wait3A_24 : memref<1x8192xf32, #tpu.memory_space<hbm>> -> memref<8192xf32, #tpu.memory_space<hbm>>
    %dma_wait3A_26 = arith.constant 0 : i32
    %dma_wait3A_27 = tpu.memref_slice %arg4[%add3A, %dma_wait3A_26] : memref<32x16384xf32, #tpu.memory_space<hbm>> -> memref<1x8192xf32, #tpu.memory_space<hbm>>
    %dma_wait3A_28 = tpu.memref_squeeze %dma_wait3A_27 : memref<1x8192xf32, #tpu.memory_space<hbm>> -> memref<8192xf32, #tpu.memory_space<hbm>>
    tpu.wait_dma2 semaphore(%arg9 : memref<!tpu.dma_semaphore, #tpu.memory_space<semaphore_mem>>) src(%arg7 : memref<8192xf32, #tpu.memory_space<vmem>>) dst(%dma_wait3A_28 : memref<8192xf32, #tpu.memory_space<hbm>>)
    %scan3A_29 = arith.constant 0 : i32
    %scan3A_30 = arith.constant 0 : i32
    %scan3A_31 = arith.constant 64 : i32
    %scan3A_32 = arith.addi %scan3A_30, %scan3A_31 : i32
    %scan3A_33 = arith.constant 1 : i32
    %scan3A_34 = scf.for %scan3A_48 = %scan3A_30 to %scan3A_32 step %scan3A_33 iter_args(%scan3A_49 = %scan3A_29) -> (i32)  : i32 {
      %mul3A_50 = arith.constant 128 : i32
      %mul3A_51 = arith.muli %scan3A_48, %mul3A_50 : i32
      %add3A_52 = arith.constant 0 : i32
      %add3A_53 = arith.addi %mul3A_51, %add3A_52 : i32
      %get3A = arith.index_cast %add3A_53 : i32 to index
      %get3A_54 = tpu.vector_load %arg6[%get3A] {strides = array<i32>} : memref<8192xi32, #tpu.memory_space<vmem>>, vector<16xi32>,
      %gather3A = tpu.vector_load_idx %arg5[%get3A_54] : memref<100000xf32, #tpu.memory_space<vmem>>[vector<16xi32>], vector<16xf32>,
      %add3A_55 = arith.constant 0 : i32
      %add3A_56 = arith.addi %mul3A_51, %add3A_55 : i32
      %swap3A = arith.index_cast %add3A_56 : i32 to index
      %swap3A_57 = tpu.vector_load %arg7[%swap3A] {strides = array<i32>} : memref<8192xf32, #tpu.memory_space<vmem>>, vector<16xf32>,
      tpu.vector_store %arg7[%swap3A], %gather3A {strides = array<i32>} : memref<8192xf32, #tpu.memory_space<vmem>>, vector<16xf32>,
      %add3A_58 = arith.constant 16 : i32
      %add3A_59 = arith.addi %mul3A_51, %add3A_58 : i32
      %get3A_60 = arith.index_cast %add3A_59 : i32 to index
      %get3A_61 = tpu.vector_load %arg6[%get3A_60] {strides = array<i32>} : memref<8192xi32, #tpu.memory_space<vmem>>, vector<16xi32>,
      %gather3A_62 = tpu.vector_load_idx %arg5[%get3A_61] : memref<100000xf32, #tpu.memory_space<vmem>>[vector<16xi32>], vector<16xf32>,
      %add3A_63 = arith.constant 16 : i32
      %add3A_64 = arith.addi %mul3A_51, %add3A_63 : i32
      %swap3A_65 = arith.index_cast %add3A_64 : i32 to index
      %swap3A_66 = tpu.vector_load %arg7[%swap3A_65] {strides = array<i32>} : memref<8192xf32, #tpu.memory_space<vmem>>, vector<16xf32>,
      tpu.vector_store %arg7[%swap3A_65], %gather3A_62 {strides = array<i32>} : memref<8192xf32, #tpu.memory_space<vmem>>, vector<16xf32>,
      %add3A_67 = arith.constant 32 : i32
      %add3A_68 = arith.addi %mul3A_51, %add3A_67 : i32
      %get3A_69 = arith.index_cast %add3A_68 : i32 to index
      %get3A_70 = tpu.vector_load %arg6[%get3A_69] {strides = array<i32>} : memref<8192xi32, #tpu.memory_space<vmem>>, vector<16xi32>,
      %gather3A_71 = tpu.vector_load_idx %arg5[%get3A_70] : memref<100000xf32, #tpu.memory_space<vmem>>[vector<16xi32>], vector<16xf32>,
      %add3A_72 = arith.constant 32 : i32
      %add3A_73 = arith.addi %mul3A_51, %add3A_72 : i32
      %swap3A_74 = arith.index_cast %add3A_73 : i32 to index
      %swap3A_75 = tpu.vector_load %arg7[%swap3A_74] {strides = array<i32>} : memref<8192xf32, #tpu.memory_space<vmem>>, vector<16xf32>,
      tpu.vector_store %arg7[%swap3A_74], %gather3A_71 {strides = array<i32>} : memref<8192xf32, #tpu.memory_space<vmem>>, vector<16xf32>,
      %add3A_76 = arith.constant 48 : i32
      %add3A_77 = arith.addi %mul3A_51, %add3A_76 : i32
      %get3A_78 = arith.index_cast %add3A_77 : i32 to index
      %get3A_79 = tpu.vector_load %arg6[%get3A_78] {strides = array<i32>} : memref<8192xi32, #tpu.memory_space<vmem>>, vector<16xi32>,
      %gather3A_80 = tpu.vector_load_idx %arg5[%get3A_79] : memref<100000xf32, #tpu.memory_space<vmem>>[vector<16xi32>], vector<16xf32>,
      %add3A_81 = arith.constant 48 : i32
      %add3A_82 = arith.addi %mul3A_51, %add3A_81 : i32
      %swap3A_83 = arith.index_cast %add3A_82 : i32 to index
      %swap3A_84 = tpu.vector_load %arg7[%swap3A_83] {strides = array<i32>} : memref<8192xf32, #tpu.memory_space<vmem>>, vector<16xf32>,
      tpu.vector_store %arg7[%swap3A_83], %gather3A_80 {strides = array<i32>} : memref<8192xf32, #tpu.memory_space<vmem>>, vector<16xf32>,
      %add3A_85 = arith.constant 64 : i32
      %add3A_86 = arith.addi %mul3A_51, %add3A_85 : i32
      %get3A_87 = arith.index_cast %add3A_86 : i32 to index
      %get3A_88 = tpu.vector_load %arg6[%get3A_87] {strides = array<i32>} : memref<8192xi32, #tpu.memory_space<vmem>>, vector<16xi32>,
      %gather3A_89 = tpu.vector_load_idx %arg5[%get3A_88] : memref<100000xf32, #tpu.memory_space<vmem>>[vector<16xi32>], vector<16xf32>,
      %add3A_90 = arith.constant 64 : i32
      %add3A_91 = arith.addi %mul3A_51, %add3A_90 : i32
      %swap3A_92 = arith.index_cast %add3A_91 : i32 to index
      %swap3A_93 = tpu.vector_load %arg7[%swap3A_92] {strides = array<i32>} : memref<8192xf32, #tpu.memory_space<vmem>>, vector<16xf32>,
      tpu.vector_store %arg7[%swap3A_92], %gather3A_89 {strides = array<i32>} : memref<8192xf32, #tpu.memory_space<vmem>>, vector<16xf32>,
      %add3A_94 = arith.constant 80 : i32
      %add3A_95 = arith.addi %mul3A_51, %add3A_94 : i32
      %get3A_96 = arith.index_cast %add3A_95 : i32 to index
      %get3A_97 = tpu.vector_load %arg6[%get3A_96] {strides = array<i32>} : memref<8192xi32, #tpu.memory_space<vmem>>, vector<16xi32>,
      %gather3A_98 = tpu.vector_load_idx %arg5[%get3A_97] : memref<100000xf32, #tpu.memory_space<vmem>>[vector<16xi32>], vector<16xf32>,
      %add3A_99 = arith.constant 80 : i32
      %add3A_100 = arith.addi %mul3A_51, %add3A_99 : i32
      %swap3A_101 = arith.index_cast %add3A_100 : i32 to index
      %swap3A_102 = tpu.vector_load %arg7[%swap3A_101] {strides = array<i32>} : memref<8192xf32, #tpu.memory_space<vmem>>, vector<16xf32>,
      tpu.vector_store %arg7[%swap3A_101], %gather3A_98 {strides = array<i32>} : memref<8192xf32, #tpu.memory_space<vmem>>, vector<16xf32>,
      %add3A_103 = arith.constant 96 : i32
      %add3A_104 = arith.addi %mul3A_51, %add3A_103 : i32
      %get3A_105 = arith.index_cast %add3A_104 : i32 to index
      %get3A_106 = tpu.vector_load %arg6[%get3A_105] {strides = array<i32>} : memref<8192xi32, #tpu.memory_space<vmem>>, vector<16xi32>,
      %gather3A_107 = tpu.vector_load_idx %arg5[%get3A_106] : memref<100000xf32, #tpu.memory_space<vmem>>[vector<16xi32>], vector<16xf32>,
      %add3A_108 = arith.constant 96 : i32
      %add3A_109 = arith.addi %mul3A_51, %add3A_108 : i32
      %swap3A_110 = arith.index_cast %add3A_109 : i32 to index
      %swap3A_111 = tpu.vector_load %arg7[%swap3A_110] {strides = array<i32>} : memref<8192xf32, #tpu.memory_space<vmem>>, vector<16xf32>,
      tpu.vector_store %arg7[%swap3A_110], %gather3A_107 {strides = array<i32>} : memref<8192xf32, #tpu.memory_space<vmem>>, vector<16xf32>,
      %add3A_112 = arith.constant 112 : i32
      %add3A_113 = arith.addi %mul3A_51, %add3A_112 : i32
      %get3A_114 = arith.index_cast %add3A_113 : i32 to index
      %get3A_115 = tpu.vector_load %arg6[%get3A_114] {strides = array<i32>} : memref<8192xi32, #tpu.memory_space<vmem>>, vector<16xi32>,
      %gather3A_116 = tpu.vector_load_idx %arg5[%get3A_115] : memref<100000xf32, #tpu.memory_space<vmem>>[vector<16xi32>], vector<16xf32>,
      %add3A_117 = arith.constant 112 : i32
      %add3A_118 = arith.addi %mul3A_51, %add3A_117 : i32
      %swap3A_119 = arith.index_cast %add3A_118 : i32 to index
      %swap3A_120 = tpu.vector_load %arg7[%swap3A_119] {strides = array<i32>} : memref<8192xf32, #tpu.memory_space<vmem>>, vector<16xf32>,
      tpu.vector_store %arg7[%swap3A_119], %gather3A_116 {strides = array<i32>} : memref<8192xf32, #tpu.memory_space<vmem>>, vector<16xf32>,
      %scan3A_121 = arith.constant 0 : i32
      scf.yield %scan3A_121 : i32
    }
    %scan3A_35 = arith.constant 64 : i32
    %dma_start3A_36 = arith.constant 8192 : i32
    %dma_start3A_37 = tpu.memref_slice %arg4[%add3A, %dma_start3A_36] : memref<32x16384xf32, #tpu.memory_space<hbm>> -> memref<1x8192xf32, #tpu.memory_space<hbm>>
    %dma_start3A_38 = tpu.memref_squeeze %dma_start3A_37 : memref<1x8192xf32, #tpu.memory_space<hbm>> -> memref<8192xf32, #tpu.memory_space<hbm>>
    %dma_start3A_39 = arith.constant 8192 : i32
    %dma_start3A_40 = tpu.memref_slice %arg4[%add3A, %dma_start3A_39] : memref<32x16384xf32, #tpu.memory_space<hbm>> -> memref<1x8192xf32, #tpu.memory_space<hbm>>
    %dma_start3A_41 = tpu.memref_squeeze %dma_start3A_40 : memref<1x8192xf32, #tpu.memory_space<hbm>> -> memref<8192xf32, #tpu.memory_space<hbm>>
    tpu.enqueue_dma source(%arg7 : memref<8192xf32, #tpu.memory_space<vmem>>) target(%dma_start3A_41 : memref<8192xf32, #tpu.memory_space<hbm>>) target_semaphore(%arg9 : memref<!tpu.dma_semaphore, #tpu.memory_space<semaphore_mem>>)
    %dma_wait3A_42 = arith.constant 8192 : i32
    %dma_wait3A_43 = tpu.memref_slice %arg4[%add3A, %dma_wait3A_42] : memref<32x16384xf32, #tpu.memory_space<hbm>> -> memref<1x8192xf32, #tpu.memory_space<hbm>>
    %dma_wait3A_44 = tpu.memref_squeeze %dma_wait3A_43 : memref<1x8192xf32, #tpu.memory_space<hbm>> -> memref<8192xf32, #tpu.memory_space<hbm>>
    %dma_wait3A_45 = arith.constant 8192 : i32
    %dma_wait3A_46 = tpu.memref_slice %arg4[%add3A, %dma_wait3A_45] : memref<32x16384xf32, #tpu.memory_space<hbm>> -> memref<1x8192xf32, #tpu.memory_space<hbm>>
    %dma_wait3A_47 = tpu.memref_squeeze %dma_wait3A_46 : memref<1x8192xf32, #tpu.memory_space<hbm>> -> memref<8192xf32, #tpu.memory_space<hbm>>
    tpu.wait_dma2 semaphore(%arg9 : memref<!tpu.dma_semaphore, #tpu.memory_space<semaphore_mem>>) src(%arg7 : memref<8192xf32, #tpu.memory_space<vmem>>) dst(%dma_wait3A_47 : memref<8192xf32, #tpu.memory_space<hbm>>)
    return
  }
}

</mosaic_0001>

<sc_bundles>
// kernel: kernel.3.cloned.1.call-start
scs
__scs_entry_jumppad:
0x0: {  	(pc) =	sbr.rel $0x88, $3  }
0x1: {  	(tag) =	ssettag $0x0;
	lr =	simm.s32 $0x1  }
0x2: {  	[smem:$0x3F9F] =	sst lr;
	_ =	strace $0xD0000000  }
0x3: {  	_ = 	snop  }
0x4: {  	_ = 	snop  }
0x5: {  	_ = 	snop  }
0x6: {  	_ = 	snop  }
0x7: {  	_ = 	snop  }
__scs_overlays_trampoline_lowered:
0x8: {  	[smem:$0x3FAE] =	sst s0  }
0x9: {  	[smem:$0x3FAF] =	sst s1  }
0xa: {  	[smem:$0x3FB0] =	sst s2  }
0xb: {  	[smem:$0x3FB1] =	sst s3  }
0xc: {  	[smem:$0x3FB2] =	sst s4  }
0xd: {  	[smem:$0x3FB3] =	sst s5  }
0xe: {  	[smem:$0x3FB4] =	sst s6  }
0xf: {  	[smem:$0x3FB5] =	sst s7  }
0x10: {  	[smem:$0x3FB6] =	sst s8  }
0x11: {  	[smem:$0x3FB7] =	sst s9;
	s0 =	simm.s32 @!p0 $0x0  }
0x12: {  	s1 =	sld [smem:$0x3F9D];
	s0 =	simm.s32 @p0 $0x1  }
0x13: {  	[smem:$0x3FB8] =	sst s0;
	s0 =	simm.s32 @!p1 $0x0  }
0x14: {  	s2 =	sld [smem:$0x3F9C];
	s0 =	simm.s32 @p1 $0x1  }
0x15: {  	[smem:$0x3FB9] =	sst s0;
	s0 =	simm.s32 @!p2 $0x0  }
0x16: {  	s3 =	sld [smem:$0x3FDB];
	s0 =	simm.s32 @p2 $0x1  }
0x17: {  	s4 =	simm.s32 $0x1BF5;
	[smem:$0x3FBB] =	sst s0  }
0x18: {  	s0 =	sld [smem:$0x3F9E];
	_ =	swait.ge [sflag:s4], $0x0  }
0x19: {  	s7 =	sld [smem:$0x3F9F]  }
0x1a: {  	s8 =	sadd.s32 $0xFFFFE003, lr  }
0x1b: {  	s9 =	sadd.s32 $0xFFFFFEF7, lr;
	s5 =	simm.s32 $0xFFFFFFFF;
	p2 =	slt.u32 s8, $0xFFFFF086  }
0x1c: {  	p1 =	slt.u32 s9, $0xF7A;
	s5 =	simm.s32 @!p2 $0x0  }
0x1d: {  	s5 =	simm.s32 @p1 $0x1;
	p0 =	seq.s32 s7, s2  }
0x1e: {  	s7 =	smul.u32 @!p0 $0xF7A, s2;
	p2 =	seq.s32 @!p0 s5, $0x0  }
0x1f: {  	s9 =	smul.u32 $0xF7A, s1;
	s8 =	simm.s32 @!p0 $0x1BF5;
	p2 =	por !p2, p0  }
0x20: {  	[sflag:s8] =	ssyncset.s32 @!p0 $0xFFFFF086;
	s6 =	sadd.s32 @!p0 s3, s7;
	s7 =	simm.s32 @!p0 $0x108  }
0x21: {  	s3 =	sadd.s32 s3, s9;
	s6 =	sadd.s32 @!p0 $0x88, s6;
	s7 =	simm.s32 @p2 $0x1082  }
0x22: {  	[simem:s7], [sflag:s8] =	dma.local @!p0 [hbm:s6], $0xF7A  }
0x23: {  	s9 =	sor.u32 $0xD0000000, s2;
	s6 =	simm.s32 $0x108;
	_ =	swait.ge @!p0 [sflag:s8], $0x0  }
0x24: {  	s3 =	sadd.s32 $0x88, s3;
	s6 =	simm.s32 @!p1 $0x1082;
	[sflag:s4] =	ssyncset.s32 $0xFFFFF086  }
0x25: {  	[simem:s6], [sflag:s4] =	dma.local [hbm:s3], $0xF7A  }
0x26: {  	[smem:$0x3F9F] =	sst s1;
	(tag) =	ssettag s2;
	_ =	strace s9  }
0x27: {  	s1 =	sld [smem:$0x3FAF]  }
0x28: {  	s2 =	sld [smem:$0x3FB0]  }
0x29: {  	s4 =	sld [smem:$0x3FB2]  }
0x2a: {  	p0 =	seq.s32 s5, $0x0;
	s5 =	sld [smem:$0x3FB3]  }
0x2b: {  	s6 =	sld [smem:$0x3FB4]  }
0x2c: {  	s7 =	sld [smem:$0x3FB5]  }
0x2d: {  	s3 =	simm.s32 $0x108;
	s8 =	sld [smem:$0x3FB6]  }
0x2e: {  	s3 =	simm.s32 @!p0 $0x1082;
	s9 =	sld [smem:$0x3FB7]  }
0x2f: {  	lr =	sadd.s32 s0, s3;
	s0 =	sld [smem:$0x3FAE]  }
0x30: {  	s3 =	sld [smem:$0x3FB1]  }
0x31: {  	[smem:$0x3FBA] =	sst s10  }
0x32: {  	s10 =	sld [smem:$0x3FB8];
	_ =	sdelay $0x3  }
0x33: {  	p0 =	seq.s32 s10, $0x1;
	s10 =	sld [smem:$0x3FBA];
	_ =	sdelay $0x3  }
0x34: {  	[smem:$0x3FBA] =	sst s10  }
0x35: {  	s10 =	sld [smem:$0x3FB9];
	_ =	sdelay $0x3  }
0x36: {  	p1 =	seq.s32 s10, $0x1;
	s10 =	sld [smem:$0x3FBA];
	_ =	sdelay $0x3  }
0x37: {  	[smem:$0x3FBA] =	sst s10  }
0x38: {  	s10 =	sld [smem:$0x3FBB]  }
0x39: {  	_ = 	snop;
	(pc) =	sbr.ind lr, $3  }
0x3a: {  	_ = 	snop  }
0x3b: {  	_ = 	snop  }
0x3c: {  	p2 =	seq.s32 s10, $0x1;
	s10 =	sld [smem:$0x3FBA]  }
0x3d: {  	_ =	shalt  }
0x3e: {  	_ =	shalt  }
0x3f: {  	_ =	shalt  }
0x40: {  	_ =	shalt  }
0x41: {  	_ =	shalt  }
0x42: {  	_ =	shalt  }
0x43: {  	_ =	shalt  }
0x44: {  	_ =	shalt  }
0x45: {  	_ =	shalt  }
0x46: {  	_ =	shalt  }
0x47: {  	_ =	shalt  }
0x48: {  	_ =	shalt  }
0x49: {  	_ =	shalt  }
0x4a: {  	_ =	shalt  }
0x4b: {  	_ =	shalt  }
0x4c: {  	_ =	shalt  }
0x4d: {  	_ =	shalt  }
0x4e: {  	_ =	shalt  }
0x4f: {  	_ =	shalt  }
0x50: {  	_ =	shalt  }
0x51: {  	_ =	shalt  }
0x52: {  	_ =	shalt  }
0x53: {  	_ =	shalt  }
0x54: {  	_ =	shalt  }
0x55: {  	_ =	shalt  }
0x56: {  	_ =	shalt  }
0x57: {  	_ =	shalt  }
0x58: {  	_ =	shalt  }
0x59: {  	_ =	shalt  }
0x5a: {  	_ =	shalt  }
0x5b: {  	_ =	shalt  }
0x5c: {  	_ =	shalt  }
0x5d: {  	_ =	shalt  }
0x5e: {  	_ =	shalt  }
0x5f: {  	_ =	shalt  }
0x60: {  	_ =	shalt  }
0x61: {  	_ =	shalt  }
0x62: {  	_ =	shalt  }
0x63: {  	_ =	shalt  }
0x64: {  	_ =	shalt  }
0x65: {  	_ =	shalt  }
0x66: {  	_ =	shalt  }
0x67: {  	_ =	shalt  }
0x68: {  	_ =	shalt  }
0x69: {  	_ =	shalt  }
0x6a: {  	_ =	shalt  }
0x6b: {  	_ =	shalt  }
0x6c: {  	_ =	shalt  }
0x6d: {  	_ =	shalt  }
0x6e: {  	_ =	shalt  }
0x6f: {  	_ =	shalt  }
0x70: {  	_ =	shalt  }
0x71: {  	_ =	shalt  }
0x72: {  	_ =	shalt  }
0x73: {  	_ =	shalt  }
0x74: {  	_ =	shalt  }
0x75: {  	_ =	shalt  }
0x76: {  	_ =	shalt  }
0x77: {  	_ =	shalt  }
0x78: {  	_ =	shalt  }
0x79: {  	_ =	shalt  }
0x7a: {  	_ =	shalt  }
0x7b: {  	_ =	shalt  }
0x7c: {  	_ =	shalt  }
0x7d: {  	_ =	shalt  }
0x7e: {  	_ =	shalt  }
0x7f: {  	_ =	shalt  }
0x80: {  	_ =	shalt  }
0x81: {  	_ =	shalt  }
0x82: {  	_ =	shalt  }
0x83: {  	_ =	shalt  }
0x84: {  	_ =	shalt  }
0x85: {  	_ =	shalt  }
0x86: {  	_ =	shalt  }
0x87: {  	_ =	shalt  }
.Lfunc_end0:
.L_simem_size_0:
called_computation_lowered:
.L_overlay_start_0:
0x88: {  	s2 =	sld [smem:$0x3FD9]  }
0x89: {  	s3 =	sld [smem:$0x3FFE];
	_ =	sdelay $0x1  }
0x8a: {  	s1 =	srdreg.scid  }
0x8b: {  	s0 =	sand.u32 $0x1, s1  }
0x8c: {  	s18 =	sshll.u32 s0, $0xA;
	s2 =	sadd.s32 s3, s2  }
0x8d: {  	s2 =	sadd.s32 s2, s18  }
0x8e: {  	[smem:$0x3FC6] =	sst s2  }
0x8f: {  	_ = 	snop  }
0x90: {  	s2 =	sld [smem:$0x3FC9]  }
0x91: {  	s19 =	sld [smem:$0x3FC8]  }
0x92: {  	s4 =	sld [smem:$0x3FD0];
	(tm) =	ssettm $0x1  }
0x93: {  	s5 =	sld [smem:$0x3FFB];
	_ =	sdelay $0x3  }
0x94: {  	_ =	strace s5  }
0x95: {  	s5 =	sld [smem:$0x3FFC];
	_ =	sdelay $0x3  }
0x96: {  	_ =	strace s5  }
0x97: {  	s5 =	sld [smem:$0x3FFD];
	_ =	sdelay $0x3  }
0x98: {  	_ =	strace s5  }
0x99: {  	_ =	strace $0x8FFFFFFF  }
0x9a: {  	s20 =	sld [smem:$0x3FDB];
	_ =	sdelay $0x1  }
0x9b: {  	s6 =	simm.s32 $_scs_section_size  }
0x9c: {  	s7 =	simm.s32 $_size__tile_overlayer_lowered;
	s8 =	simm.s32 $_tile_overlayer_lowered  }
0x9d: {  	s23 =	simm.s32 $0x1BFF;
	s22 =	sshll.u32 s8, $0x1;
	s5 =	sadd.s32 s6, s20  }
0x9e: {  	s9 =	simm.s32 $0x0;
	s21 =	sshll.u32 s7, $0x1;
	s7 =	sadd.s32 s22, s5  }
0x9f: {  	[timem:s9], [sflag:s23] =	dma.local [hbm:s7], s21  }
0xa0: {  	_ =	swait.ge [sflag:s23], s21  }
0xa1: {  	s6 =	ssub.s32 $0x0, s21;
	[sflag:s23] =	ssyncset.done $0x0  }
0xa2: {  	[sflag:s23] =	ssyncadd.s32 s6;
	_ =	sdelay $0x1  }
0xa3: {  	s24 =	simm.s32 $0x1B8B  }
0xa4: {  	_ =	swait.ge [sflag:s24], $0x1  }
0xa5: {  	[sflag:s24] =	ssyncset.done $0x0  }
0xa6: {  	s25 =	simm.s32 $0x1B8E;
	[sflag:s24] =	ssyncadd.s32 $0xFFFFFFFF  }
0xa7: {  	s26 =	simm.s32 $execute0_lowered;
	[smem:$0x3FD2] =	sst s25  }
0xa8: {  	s6 =	sshll.u32 s26, $0x1;
	_ =	strace $0x80000046;
	[dreg:$0x1] =	wrdreg $0xFFFFFFFF  }
0xa9: {  	s28 =	simm.s32 $_size_execute0_lowered;
	s5 =	sadd.s32 s5, s6;
	[dreg:$0x0] =	wrdreg $0x0  }
0xaa: {  	s6 =	sshll.u32 s28, $0x1;
	[dreg:$0x2] =	wrdreg s5  }
0xab: {  	[dreg:$0x3] =	wrdreg s6  }
0xac: {  	[dreg:$0x4] =	wrdreg $0xC0  }
0xad: {  	_ =	task [dreg:s9], $0x5FFFF  }
0xae: {  	[dreg:$0x1] =	wrdreg $0xFFFFFFFF  }
0xaf: {  	[dreg:$0x0] =	wrdreg $0x60  }
0xb0: {  	[dreg:$0x2] =	wrdreg s19  }
0xb1: {  	[dreg:$0x3] =	wrdreg s2  }
0xb2: {  	[dreg:$0x4] =	wrdreg s4  }
0xb3: {  	[dreg:$0x5] =	wrdreg $0x9  }
0xb4: {  	_ =	task.clear_ibuf [dreg:s9], $0x6FFFF;
	_ =	strace $0x90000046  }
0xb5: {  	s29 =	simm.s32 $0x9;
	_ =	strace $0x80000048  }
0xb6: {  	_ =	swait.ge [sflag:s29], $0x1  }
0xb7: {  	[sflag:s29] =	ssyncadd.s32 $0xFFFFFFFF  }
0xb8: {  	_ =	strace $0x90000048  }
0xb9: {  	_ =	sfence  }
0xba: {  	s30 =	sld [smem:$0x0];
	_ =	sdelay $0x2  }
0xbb: {  	s31 =	sshll.u32 s1, $0xD;
	s1 =	sshrl.u32 s1, $0x2  }
0xbc: {  	s3 =	sand.u32 $0x4000, s31;
	s1 =	sadd.s32 s1, s30  }
0xbd: {  	s0 =	sor.u32 s3, s0;
	s1 =	sshll.u32 s1, $0x11  }
0xbe: {  	s0 =	sor.u32 s1, s0  }
0xbf: {  	s0 =	sadd.s32 $0x8F2B, s0  }
0xc0: {  	[sflag:s0] =	ssyncadd.remote.s32 $0x1  }
0xc1: {  	_ =	sfence.sel $0xFFFF  }
0xc2: {  	[dreg:$0x0] =	wrdreg $0xFFFFFFFF;
	(pc) =	sbr.abs _section_cstart, $3  }
0xc3: {  	[dreg:$0x1] =	wrdreg $0xFFFFFFFF  }
0xc4: {  	_ =	task.clear_ibuf [dreg:s9], $0x2FFFF;
	_ =	strace $0x9FFFFFFF  }
0xc5: {  	(tm) =	ssettm $0x7FFFFFFF  }
tec
execute0_lowered:
.L_overlay_start_1:
0x0: {  	(tag) =	ssettag $0x1  }
0x1: {  	s5 =	rddreg [dreg:$0x0]  }
0x2: {  	s1 =	rddreg [dreg:$0x1]  }
0x3: {  	s4 =	rddreg [dreg:$0x2]  }
0x4: {  	s0 =	rddreg [dreg:$0x3]  }
0x5: {  	s3 =	simm.s32 $0x0;
	s6 =	srdreg.scid;
	s2 =	stileid.u32  }
0x6: {  	s11 =	simm.s32 $0x18700;
	s12 =	simm.s32 $0x3;
	s13 =	simm.s32 $0x1  }
0x7: {  	s14 =	simm.s32 $0x1A700;
	s15 =	simm.s32 $0x2;
	s16 =	simm.s32 $0x0  }
0x8: {  	[smem:$0x7FF] =	sst s3;
	s6 =	sand.u32 $0x1, s6;
	s7 =	sshll.u32 s2, $0x8  }
0x9: {  	s8 =	sshrl.u32 s2, $0x2;
	s9 =	sshll.u32 s6, $0x7;
	s7 =	sand.u32 $0x300, s7  }
0xa: {  	s29 =	smul.u32 $0xC3800, s8;
	s8 =	sshll.u32 s8, $0x11;
	s6 =	ssub.s32 $0x2, s6  }
0xb: {  	_ =	strace $0x80000047;
	s7 =	sor.u32 s9, s7;
	s10 =	sshrl.u32 s6, $0x1  }
0xc: {  	s9 =	simm.s32 $0x80;
	s8 =	sor.u32 s8, s7;
	s7 =	sor.u32 s29, s7  }
0xd: {  	s30 =	ssub.s32 s6, s10;
	s6 =	sadd.s32 $0x400, s1;
	s8 =	sshrl.u32 s8, $0x3  }
0xe: {  	s10 =	simm.s32 $0x400;
	s31 =	sshrl.u32 s7, $0x3;
	s4 =	sadd.s32 s4, s8  }
0xf: {  	s5 =	sadd.s32 s5, s31;
	s8 =	smax.u32 s30, $0x1;
	s7 =	sadd.s32 $0x2000, s4  }
.LBB2_1:
0x10: {  	[tilespmem:s3], [sflag:$0x1] =	stream.strided.gather [hbm4b:s5+s9], $0x18700, s10, s9, $0x38;
	[tilespmem:$0x1C700] =	vst v63  }
0x11: {  	_ = 	snop  }
0x12: {  	[tilespmem:s11], [sflag:$0x3] =	stream.linear.gather [hbm4b:s1+s3], $0x2000, $0x38;
	[tilespmem:$0x1C700] =	vst v63  }
0x13: {  	_ =	swait.ge [sflag:s12], $0x2000  }
0x14: {  	[sflag:s12] =	ssyncset.done $0x0  }
0x15: {  	[sflag:s12] =	ssyncadd.s32 $0xFFFFE000  }
0x16: {  	_ =	swait.ge [sflag:s13], $0x18700  }
0x17: {  	[sflag:s13] =	ssyncset.done $0x0  }
0x18: {  	s17 =	simm.s32 $0x0;
	[sflag:s13] =	ssyncadd.s32 $0xFFFE7900  }
0x19: {  	v0 =	vld [tilespmem:s17+$0x18700];
	_ =	sdelay $0x5  }
0x1a: {  	v1 =	vld [tilespmem:s17+$0x18710];
	_ =	sdelay $0x1  }
0x1b: {  	v0 =	vld.idx.msk [tilespmem:v0+s3+$0x0], $0xffff;
	_ =	sdelay $0x4  }
0x1c: {  	[tilespmem:s17+$0x1A700] =	vst v0;
	v0 =	vld [tilespmem:s17+$0x18720]  }
0x1d: {  	v1 =	vld.idx.msk [tilespmem:v1+s3+$0x0], $0xffff;
	_ =	sdelay $0x4  }
0x1e: {  	[tilespmem:s17+$0x1A710] =	vst v1;
	v1 =	vld [tilespmem:s17+$0x18730];
	_ =	sdelay $0x1  }
0x1f: {  	v0 =	vld.idx.msk [tilespmem:v0+s3+$0x0], $0xffff;
	_ =	sdelay $0x4  }
0x20: {  	[tilespmem:s17+$0x1A720] =	vst v0;
	v0 =	vld [tilespmem:s17+$0x18740]  }
0x21: {  	v1 =	vld.idx.msk [tilespmem:v1+s3+$0x0], $0xffff;
	_ =	sdelay $0x4  }
0x22: {  	[tilespmem:s17+$0x1A730] =	vst v1;
	v1 =	vld [tilespmem:s17+$0x18750];
	_ =	sdelay $0x1  }
0x23: {  	v0 =	vld.idx.msk [tilespmem:v0+s3+$0x0], $0xffff;
	_ =	sdelay $0x4  }
0x24: {  	v2 =	vld [tilespmem:s17+$0x18760];
	[tilespmem:s17+$0x1A740] =	vst v0  }
0x25: {  	v0 =	vld.idx.msk [tilespmem:v1+s3+$0x0], $0xffff;
	_ =	sdelay $0x4  }
0x26: {  	[tilespmem:s17+$0x1A750] =	vst v0;
	v0 =	vld [tilespmem:s17+$0x18770];
	_ =	sdelay $0x1  }
0x27: {  	v1 =	vld.idx.msk [tilespmem:v2+s3+$0x0], $0xffff;
	_ =	sdelay $0x3  }
0x28: {  	s19 =	simm.s32 $0x80;
	s18 =	simm.s32 $0x400  }
.LBB2_2:
0x29: {  	p0 =	sne.s32 s18, $0x7E00;
	v2 =	vld [tilespmem:s19+$0x18700];
	[tilespmem:s17+$0x1A760] =	vst v1  }
0x2a: {  	v0 =	vld.idx.msk [tilespmem:v0+s3+$0x0], $0xffff;
	_ =	sdelay $0x5  }
0x2b: {  	v1 =	vld [tilespmem:s19+$0x18710];
	[tilespmem:s17+$0x1A770] =	vst v0;
	s17 =	smov.u32 s19  }
0x2c: {  	v0 =	vld.idx.msk [tilespmem:v2+s3+$0x0], $0xffff;
	_ =	sdelay $0x5  }
0x2d: {  	[tilespmem:s17+$0x1A700] =	vst v0;
	v0 =	vld [tilespmem:s17+$0x18720]  }
0x2e: {  	v1 =	vld.idx.msk [tilespmem:v1+s3+$0x0], $0xffff;
	_ =	sdelay $0x5  }
0x2f: {  	[tilespmem:s17+$0x1A710] =	vst v1;
	v1 =	vld [tilespmem:s17+$0x18730]  }
0x30: {  	v0 =	vld.idx.msk [tilespmem:v0+s3+$0x0], $0xffff;
	_ =	sdelay $0x5  }
0x31: {  	[tilespmem:s17+$0x1A720] =	vst v0;
	v0 =	vld [tilespmem:s17+$0x18740]  }
0x32: {  	v1 =	vld.idx.msk [tilespmem:v1+s3+$0x0], $0xffff;
	_ =	sdelay $0x5  }
0x33: {  	[tilespmem:s17+$0x1A730] =	vst v1;
	v1 =	vld [tilespmem:s17+$0x18750]  }
0x34: {  	v0 =	vld.idx.msk [tilespmem:v0+s3+$0x0], $0xffff;
	_ =	sdelay $0x5  }
0x35: {  	[tilespmem:s17+$0x1A740] =	vst v0;
	v2 =	vld [tilespmem:s17+$0x18760]  }
0x36: {  	v0 =	vld.idx.msk [tilespmem:v1+s3+$0x0], $0xffff;
	_ =	sdelay $0x5  }
0x37: {  	[tilespmem:s17+$0x1A750] =	vst v0;
	v0 =	vld [tilespmem:s17+$0x18770]  }
0x38: {  	v1 =	vld.idx.msk [tilespmem:v2+s3+$0x0], $0xffff  }
.Ltmp0:
0x39: {  	(pc) =	sbr.rel @p0 .LBB2_2-.Ltmp0, $2  }
0x3a: {  	_ =	sdelay $0x2  }
0x3b: {  	s19 =	sshra.s32 s18, $0x2;
	s18 =	sadd.s32 $0x200, s18  }
0x3c: {  	_ =	sdelay $0x1  }
0x3d: {  	v2 =	vld [tilespmem:s19+$0x18700]  }
0x3e: {  	[tilespmem:s17+$0x1A760] =	vst v1  }
0x3f: {  	v0 =	vld.idx.msk [tilespmem:v0+s3+$0x0], $0xffff;
	_ =	sdelay $0x3  }
0x40: {  	v1 =	vld [tilespmem:s19+$0x18710]  }
0x41: {  	[tilespmem:s17+$0x1A770] =	vst v0  }
0x42: {  	v0 =	vld.idx.msk [tilespmem:v2+s3+$0x0], $0xffff;
	_ =	sdelay $0x4  }
0x43: {  	[tilespmem:s19+$0x1A700] =	vst v0;
	v0 =	vld [tilespmem:s19+$0x18720]  }
0x44: {  	v1 =	vld.idx.msk [tilespmem:v1+s3+$0x0], $0xffff;
	_ =	sdelay $0x4  }
0x45: {  	[tilespmem:s19+$0x1A710] =	vst v1;
	v1 =	vld [tilespmem:s19+$0x18730];
	_ =	sdelay $0x1  }
0x46: {  	v0 =	vld.idx.msk [tilespmem:v0+s3+$0x0], $0xffff;
	_ =	sdelay $0x4  }
0x47: {  	[tilespmem:s19+$0x1A720] =	vst v0;
	v0 =	vld [tilespmem:s19+$0x18740]  }
0x48: {  	v1 =	vld.idx.msk [tilespmem:v1+s3+$0x0], $0xffff;
	_ =	sdelay $0x4  }
0x49: {  	[tilespmem:s19+$0x1A730] =	vst v1;
	v1 =	vld [tilespmem:s19+$0x18750];
	_ =	sdelay $0x1  }
0x4a: {  	v0 =	vld.idx.msk [tilespmem:v0+s3+$0x0], $0xffff;
	_ =	sdelay $0x4  }
0x4b: {  	[tilespmem:s19+$0x1A740] =	vst v0;
	v0 =	vld [tilespmem:s19+$0x18760]  }
0x4c: {  	v1 =	vld.idx.msk [tilespmem:v1+s3+$0x0], $0xffff;
	_ =	sdelay $0x4  }
0x4d: {  	[tilespmem:s19+$0x1A750] =	vst v1;
	v1 =	vld [tilespmem:s19+$0x18770];
	_ =	sdelay $0x1  }
0x4e: {  	v0 =	vld.idx.msk [tilespmem:v0+s3+$0x0], $0xffff;
	_ =	sdelay $0x4  }
0x4f: {  	[tilespmem:s19+$0x1A760] =	vst v0  }
0x50: {  	v0 =	vld.idx.msk [tilespmem:v1+s3+$0x0], $0xffff;
	_ =	sdelay $0x4  }
0x51: {  	[tilespmem:s19+$0x1A770] =	vst v0  }
0x52: {  	[hbm4b:s4+s9] =	stream.strided.scatter [tilespmem:s14], [sflag:$0x2], $0x2000, s10, s9, $0x38;
	[tilespmem:$0x1C700] =	vst v63  }
0x53: {  	s31 =	simm.s32 $0x0  }
0x54: {  	[tilespmem:s11], [sflag:$0x3] =	stream.linear.gather [hbm4b:s6+s31], $0x2000, $0x38;
	[tilespmem:$0x1C700] =	vst v63  }
0x55: {  	_ =	swait.ge [sflag:s12], $0x2000  }
0x56: {  	[sflag:s12] =	ssyncset.done $0x0  }
0x57: {  	[sflag:s12] =	ssyncadd.s32 $0xFFFFE000  }
0x58: {  	_ =	swait.ge [sflag:s15], $0x2000  }
0x59: {  	[sflag:s15] =	ssyncset.done $0x0  }
0x5a: {  	s17 =	simm.s32 $0x0;
	[sflag:s15] =	ssyncadd.s32 $0xFFFFE000  }
0x5b: {  	v0 =	vld [tilespmem:s17+$0x18700];
	_ =	sdelay $0x5  }
0x5c: {  	v1 =	vld [tilespmem:s17+$0x18710];
	_ =	sdelay $0x1  }
0x5d: {  	v0 =	vld.idx.msk [tilespmem:v0+s3+$0x0], $0xffff;
	_ =	sdelay $0x4  }
0x5e: {  	[tilespmem:s17+$0x1A700] =	vst v0;
	v0 =	vld [tilespmem:s17+$0x18720]  }
0x5f: {  	v1 =	vld.idx.msk [tilespmem:v1+s3+$0x0], $0xffff;
	_ =	sdelay $0x4  }
0x60: {  	[tilespmem:s17+$0x1A710] =	vst v1;
	v1 =	vld [tilespmem:s17+$0x18730];
	_ =	sdelay $0x1  }
0x61: {  	v0 =	vld.idx.msk [tilespmem:v0+s3+$0x0], $0xffff;
	_ =	sdelay $0x4  }
0x62: {  	[tilespmem:s17+$0x1A720] =	vst v0;
	v0 =	vld [tilespmem:s17+$0x18740]  }
0x63: {  	v1 =	vld.idx.msk [tilespmem:v1+s3+$0x0], $0xffff;
	_ =	sdelay $0x4  }
0x64: {  	[tilespmem:s17+$0x1A730] =	vst v1;
	v1 =	vld [tilespmem:s17+$0x18750];
	_ =	sdelay $0x1  }
0x65: {  	v0 =	vld.idx.msk [tilespmem:v0+s3+$0x0], $0xffff;
	_ =	sdelay $0x4  }
0x66: {  	v2 =	vld [tilespmem:s17+$0x18760];
	[tilespmem:s17+$0x1A740] =	vst v0  }
0x67: {  	v0 =	vld.idx.msk [tilespmem:v1+s3+$0x0], $0xffff;
	_ =	sdelay $0x4  }
0x68: {  	[tilespmem:s17+$0x1A750] =	vst v0;
	v0 =	vld [tilespmem:s17+$0x18770];
	_ =	sdelay $0x1  }
0x69: {  	v1 =	vld.idx.msk [tilespmem:v2+s3+$0x0], $0xffff;
	_ =	sdelay $0x3  }
0x6a: {  	s18 =	simm.s32 $0x400;
	s19 =	simm.s32 $0x80  }
.LBB2_4:
0x6b: {  	p0 =	sne.s32 s18, $0x7E00;
	v2 =	vld [tilespmem:s19+$0x18700];
	[tilespmem:s17+$0x1A760] =	vst v1  }
0x6c: {  	v0 =	vld.idx.msk [tilespmem:v0+s3+$0x0], $0xffff;
	_ =	sdelay $0x5  }
0x6d: {  	v1 =	vld [tilespmem:s19+$0x18710];
	[tilespmem:s17+$0x1A770] =	vst v0;
	s17 =	smov.u32 s19  }
0x6e: {  	v0 =	vld.idx.msk [tilespmem:v2+s3+$0x0], $0xffff;
	_ =	sdelay $0x5  }
0x6f: {  	[tilespmem:s17+$0x1A700] =	vst v0;
	v0 =	vld [tilespmem:s17+$0x18720]  }
0x70: {  	v1 =	vld.idx.msk [tilespmem:v1+s3+$0x0], $0xffff;
	_ =	sdelay $0x5  }
0x71: {  	[tilespmem:s17+$0x1A710] =	vst v1;
	v1 =	vld [tilespmem:s17+$0x18730]  }
0x72: {  	v0 =	vld.idx.msk [tilespmem:v0+s3+$0x0], $0xffff;
	_ =	sdelay $0x5  }
0x73: {  	[tilespmem:s17+$0x1A720] =	vst v0;
	v0 =	vld [tilespmem:s17+$0x18740]  }
0x74: {  	v1 =	vld.idx.msk [tilespmem:v1+s3+$0x0], $0xffff;
	_ =	sdelay $0x5  }
0x75: {  	[tilespmem:s17+$0x1A730] =	vst v1;
	v1 =	vld [tilespmem:s17+$0x18750]  }
0x76: {  	v0 =	vld.idx.msk [tilespmem:v0+s3+$0x0], $0xffff;
	_ =	sdelay $0x5  }
0x77: {  	[tilespmem:s17+$0x1A740] =	vst v0;
	v2 =	vld [tilespmem:s17+$0x18760]  }
0x78: {  	v0 =	vld.idx.msk [tilespmem:v1+s3+$0x0], $0xffff;
	_ =	sdelay $0x5  }
0x79: {  	[tilespmem:s17+$0x1A750] =	vst v0;
	v0 =	vld [tilespmem:s17+$0x18770]  }
0x7a: {  	v1 =	vld.idx.msk [tilespmem:v2+s3+$0x0], $0xffff  }
.Ltmp1:
0x7b: {  	(pc) =	sbr.rel @p0 .LBB2_4-.Ltmp1, $2  }
0x7c: {  	_ =	sdelay $0x2  }
0x7d: {  	s19 =	sshra.s32 s18, $0x2;
	s18 =	sadd.s32 $0x200, s18  }
0x7e: {  	_ =	sdelay $0x1  }
0x7f: {  	v2 =	vld [tilespmem:s19+$0x18700]  }
0x80: {  	[tilespmem:s17+$0x1A760] =	vst v1  }
0x81: {  	v0 =	vld.idx.msk [tilespmem:v0+s3+$0x0], $0xffff;
	_ =	sdelay $0x3  }
0x82: {  	v1 =	vld [tilespmem:s19+$0x18710]  }
0x83: {  	[tilespmem:s17+$0x1A770] =	vst v0  }
0x84: {  	v0 =	vld.idx.msk [tilespmem:v2+s3+$0x0], $0xffff;
	_ =	sdelay $0x3  }
0x85: {  	v58 =	vld [tilespmem:s19+$0x18720]  }
0x86: {  	[tilespmem:s19+$0x1A700] =	vst v0  }
0x87: {  	v1 =	vld.idx.msk [tilespmem:v1+s3+$0x0], $0xffff;
	_ =	sdelay $0x3  }
0x88: {  	v59 =	vld [tilespmem:s19+$0x18730]  }
0x89: {  	[tilespmem:s19+$0x1A710] =	vst v1  }
0x8a: {  	v0 =	vld.idx.msk [tilespmem:v58+s3+$0x0], $0xffff;
	_ =	sdelay $0x3  }
0x8b: {  	v60 =	vld [tilespmem:s19+$0x18740]  }
0x8c: {  	[tilespmem:s19+$0x1A720] =	vst v0  }
0x8d: {  	v1 =	vld.idx.msk [tilespmem:v59+s3+$0x0], $0xffff;
	_ =	sdelay $0x3  }
0x8e: {  	v61 =	vld [tilespmem:s19+$0x18750]  }
0x8f: {  	[tilespmem:s19+$0x1A730] =	vst v1  }
0x90: {  	v0 =	vld.idx.msk [tilespmem:v60+s3+$0x0], $0xffff;
	_ =	sdelay $0x3  }
0x91: {  	v62 =	vld [tilespmem:s19+$0x18760]  }
0x92: {  	[tilespmem:s19+$0x1A740] =	vst v0  }
0x93: {  	v1 =	vld.idx.msk [tilespmem:v61+s3+$0x0], $0xffff;
	_ =	sdelay $0x3  }
0x94: {  	v63 =	vld [tilespmem:s19+$0x18770]  }
0x95: {  	[tilespmem:s19+$0x1A750] =	vst v1  }
0x96: {  	v0 =	vld.idx.msk [tilespmem:v62+s3+$0x0], $0xffff;
	_ =	sdelay $0x4  }
0x97: {  	[tilespmem:s19+$0x1A760] =	vst v0  }
0x98: {  	v0 =	vld.idx.msk [tilespmem:v63+s3+$0x0], $0xffff;
	_ =	sdelay $0x2  }
0x99: {  	s16 =	sadd.s32 $0x1, s16  }
0x9a: {  	p0 =	sne.s32 s16, s8  }
.Ltmp2:
0x9b: {  	[tilespmem:s19+$0x1A770] =	vst v0;
	(pc) =	sbr.rel @p0 .LBB2_1-.Ltmp2, $4  }
0x9c: {  	[hbm4b:s7+s9] =	stream.strided.scatter [tilespmem:s14], [sflag:$0x2], $0x2000, s10, s9, $0x38;
	[tilespmem:$0x1C700] =	vst v63  }
0x9d: {  	_ =	swait.ge [sflag:s15], $0x2000  }
0x9e: {  	[sflag:s15] =	ssyncset.done $0x0  }
0x9f: {  	[sflag:s15] =	ssyncadd.s32 $0xFFFFE000  }
0xa0: {  	_ =	sfence.sel $0x180000  }
0xa1: {  	[bflag:$0x0] =	sbarrier.arrive $0xFFFF  }
0xa2: {  	p0 =	sne.s32 s2, $0x0;
	_ =	strace $0x90000047  }
0xa3: {  	s0 =	sadd.s32 @!p0 $0x100000, s0;
	[bflag:$0x2] =	sbarrier.arrive $0xFFFF  }
0xa4: {  	[sflag:s0] =	ssyncadd.tile.s32 @!p0 $0x1;
	_ =	shalt  }
.Lfunc_end2:
_tile_overlayer_lowered:
.L_overlay_start_2:
0xa5: {  	(tag) =	ssettag $0x2  }
0xa6: {  	s0 =	rddreg [dreg:$0x0];
	s2 =	stileid.u32  }
0xa7: {  	s1 =	rddreg [dreg:$0x1];
	p0 =	sne.s32 s2, $0x0  }
0xa8: {  	s3 =	rddreg [dreg:$0x2];
	[bflag:$0x3] =	sbarrier.arrive $0xFFFF;
	s2 =	simm.s32 @!p0 $0x1C03  }
0xa9: {  	[timem:s3], [sflag:s2] =	dma.local @!p0 [hbm:s0], s1  }
0xaa: {  	s0 =	simm.s32 @!p0 $0x3  }
0xab: {  	_ =	swait.ge @!p0 [sflag:s0], s1  }
0xac: {  	s1 =	ssub.s32 @!p0 $0x0, s1;
	[sflag:s0] =	ssyncset.done @!p0 $0x0  }
0xad: {  	[sflag:s0] =	ssyncadd.s32 @!p0 s1  }
0xae: {  	[bflag:$0x3] =	sbarrier.arrive $0xFFFF  }
0xaf: {  	_ =	shalt  }

</sc_bundles>
